<compile_context>
chip_gen: v7x
topology: tpu7x:2x2x1
jax: 0.10.2.dev20260603
libtpu: 0.0.44.dev20260713+nightly
codegen_flags: <defaults>
</compile_context>

<pallas_src>
import jax
import jax.numpy as jnp
from jax.experimental import pallas as pl
from jax.experimental.pallas import tpu as pltpu


def _gate_body(c_ref, t_ref, wfc_ref, bfc_ref, wfc1_ref, bfc1_ref,
               m_ref, w_ref):
    cb = c_ref[...]
    tb = t_ref[...]
    wf = wfc_ref[...]
    h = (jnp.dot(cb, wf[:64], preferred_element_type=jnp.float32)
         + jnp.dot(tb, wf[64:], preferred_element_type=jnp.float32)
         + bfc_ref[...])
    h = jnp.where(h > 0, h, jnp.exp(jnp.minimum(h, 0.0)) - 1.0)
    h = jnp.dot(h, wfc1_ref[...], preferred_element_type=jnp.float32) \
        + bfc1_ref[...]
    w = jax.nn.sigmoid(h)
    w_ref[...] = w
    m_ref[...] = tb + (cb - tb) * w


def _gate_flat(c2, t2, W_fc, bfc2, W_fc1, bfc12):
    rows, dim = c2.shape
    BN = 4000
    grid = (rows // BN,)
    spec = pl.BlockSpec((BN, dim), lambda i: (i, 0))
    rep = lambda shape: pl.BlockSpec(shape, lambda i: (0, 0))
    return pl.pallas_call(
        _gate_body,
        grid=grid,
        in_specs=[
            spec, spec,
            rep((2 * dim, dim)),
            rep((1, dim)),
            rep((dim, dim)),
            rep((1, dim)),
        ],
        out_specs=[spec, spec],
        out_shape=[
            jax.ShapeDtypeStruct((rows, dim), jnp.float32),
            jax.ShapeDtypeStruct((rows, dim), jnp.float32),
        ],
        compiler_params=pltpu.CompilerParams(
            dimension_semantics=("parallel",),
        ),
    )(c2, t2, W_fc, bfc2, W_fc1, bfc12)


def kernel(c, t, W_fc, b_fc, W_fc1, b_fc1):
    bs, n, dim = c.shape
    bfc2 = b_fc.reshape(1, dim)
    bfc12 = b_fc1.reshape(1, dim)

    ms, ws = [], []
    for b in range(bs):
        m2, w2 = _gate_flat(c[b], t[b], W_fc, bfc2, W_fc1, bfc12)
        ms.append(m2)
        ws.append(w2)
    return jnp.stack(ms), jnp.stack(ws)

# --- scband reference (transcript-rebuilt; emitter-appended) ---
"""Pipeline reference for scband-vanilla-60885456388928 (READ-ONLY COPY).

The authoritative reference and input builder live on the scoring server;
editing this copy changes nothing except your own understanding.
"""

import jax, jax.numpy as jnp
import numpy as np


def setup_inputs(seed: int = 0) -> dict:
    key = jax.random.key(seed)
    k1, k2, k3, k4 = jax.random.split(key, 4)
    bs, n, dim = 4, 100000, 64
    c = jax.random.normal(k1, (bs, n, dim), dtype=jnp.float32)
    t = jax.random.normal(k2, (bs, n, dim), dtype=jnp.float32)
    # nn.Linear(128, 64): stored transposed as [in, out] for x @ W
    W_fc = jax.random.normal(k3, (128, 64), dtype=jnp.float32) * (1.0 / np.sqrt(128.0))
    b_fc = jnp.zeros((64,), dtype=jnp.float32)
    # nn.Linear(64, 64)
    W_fc1 = jax.random.normal(k4, (64, 64), dtype=jnp.float32) * (1.0 / np.sqrt(64.0))
    b_fc1 = jnp.zeros((64,), dtype=jnp.float32)
    return {"c": c, "t": t, "W_fc": W_fc, "b_fc": b_fc, "W_fc1": W_fc1, "b_fc1": b_fc1}


def reference(c, t, W_fc, b_fc, W_fc1, b_fc1):
    # SelfGateV1.forward (GRU update-gate-like fusion)
    bs, n, dim = c.shape
    x = jnp.concatenate((c, t), axis=-1)          # [bs, n, 128]
    w = x @ W_fc + b_fc                            # fc: [bs, n, 64]
    w = jax.nn.elu(w)                              # ELU activation
    w = jax.nn.sigmoid(w @ W_fc1 + b_fc1)          # fc1 + sigmoid: [bs, n, 64]
    w = w.reshape(bs, n, -1)
    c_g = c * w
    t_g = t * (1.0 - w)
    mixed_feature = c_g + t_g
    return (mixed_feature, w)

if __name__ == "__main__":
    import jax
    _d = setup_inputs()
    print(jax.jit(kernel)(*tuple(_d.values())))

</pallas_src>

<mosaic_0001>
module attributes {stable_mosaic.version = 14 : i64} {
  func.func @_gate_body(%arg0: i32, %arg1: memref<4000x64xf32, #tpu.memory_space<vmem>>, %arg2: memref<4000x64xf32, #tpu.memory_space<vmem>>, %arg3: memref<128x64xf32, #tpu.memory_space<vmem>>, %arg4: memref<1x64xf32, #tpu.memory_space<vmem>>, %arg5: memref<64x64xf32, #tpu.memory_space<vmem>>, %arg6: memref<1x64xf32, #tpu.memory_space<vmem>>, %arg7: memref<4000x64xf32, #tpu.memory_space<vmem>>, %arg8: memref<4000x64xf32, #tpu.memory_space<vmem>>) attributes {dimension_semantics = [#tpu.dimension_semantics<parallel>], iteration_bounds = array<i64: 25>, scalar_prefetch = 0 : i64, scratch_operands = 0 : i64, tpu.core_type = #tpu.core_type<tc>, window_params = [{transform_indices = @transform_0, window_bounds = array<i64: 4000, 64>}, {transform_indices = @transform_1, window_bounds = array<i64: 4000, 64>}, {pipeline_mode = #tpu.pipeline_mode<synchronous>, transform_indices = @transform_2, window_bounds = array<i64: 128, 64>}, {pipeline_mode = #tpu.pipeline_mode<synchronous>, transform_indices = @transform_3, window_bounds = array<i64: 1, 64>}, {pipeline_mode = #tpu.pipeline_mode<synchronous>, transform_indices = @transform_4, window_bounds = array<i64: 64, 64>}, {pipeline_mode = #tpu.pipeline_mode<synchronous>, transform_indices = @transform_5, window_bounds = array<i64: 1, 64>}, {transform_indices = @transform_6, window_bounds = array<i64: 4000, 64>}, {transform_indices = @transform_7, window_bounds = array<i64: 4000, 64>}]} {
    %get3A = arith.constant 0 : index
    %get3A_0 = arith.constant 0 : index
    %get3A_1 = vector.load %arg1[%get3A, %get3A_0] : memref<4000x64xf32, #tpu.memory_space<vmem>>, vector<4000x64xf32>
    %get3A_2 = arith.constant 0 : index
    %get3A_3 = arith.constant 0 : index
    %get3A_4 = vector.load %arg2[%get3A_2, %get3A_3] : memref<4000x64xf32, #tpu.memory_space<vmem>>, vector<4000x64xf32>
    %get3A_5 = arith.constant 0 : index
    %get3A_6 = arith.constant 0 : index
    %get3A_7 = vector.load %arg3[%get3A_5, %get3A_6] : memref<128x64xf32, #tpu.memory_space<vmem>>, vector<128x64xf32>
    %slice3A = vector.extract_strided_slice %get3A_7 {offsets = [0, 0], sizes = [64, 64], strides = [1, 1]} : vector<128x64xf32> to vector<64x64xf32>
    %dot_general3A = arith.constant dense<0.000000e+00> : vector<4000x64xf32>
    %dot_general3A_8 = tpu.matmul %get3A_1, %slice3A, %dot_general3A {dimension_numbers = #tpu.dot_dimension_numbers<[1], [0], [0], [1], [0, 0, 1, 1], [], []>, transpose_lhs_hint = false} : vector<4000x64xf32>, vector<64x64xf32>, vector<4000x64xf32> -> vector<4000x64xf32>
    %slice3A_9 = vector.extract_strided_slice %get3A_7 {offsets = [64, 0], sizes = [64, 64], strides = [1, 1]} : vector<128x64xf32> to vector<64x64xf32>
    %dot_general3A_10 = arith.constant dense<0.000000e+00> : vector<4000x64xf32>
    %dot_general3A_11 = tpu.matmul %get3A_4, %slice3A_9, %dot_general3A_10 {dimension_numbers = #tpu.dot_dimension_numbers<[1], [0], [0], [1], [0, 0, 1, 1], [], []>, transpose_lhs_hint = false} : vector<4000x64xf32>, vector<64x64xf32>, vector<4000x64xf32> -> vector<4000x64xf32>
    %add3A = arith.addf %dot_general3A_8, %dot_general3A_11 : vector<4000x64xf32>
    %get3A_12 = arith.constant 0 : index
    %get3A_13 = arith.constant 0 : index
    %get3A_14 = vector.load %arg4[%get3A_12, %get3A_13] : memref<1x64xf32, #tpu.memory_space<vmem>>, vector<1x64xf32>
    %add3A_15 = vector.broadcast %get3A_14 : vector<1x64xf32> to vector<4000x64xf32>
    %add3A_16 = arith.addf %add3A, %add3A_15 : vector<4000x64xf32>
    %gt3A = arith.constant 0.000000e+00 : f32
    %gt3A_17 = vector.broadcast %gt3A : f32 to vector<4000x64xf32>
    %gt3A_18 = arith.cmpf ogt, %add3A_16, %gt3A_17 : vector<4000x64xf32>
    %min3A = arith.constant 0.000000e+00 : f32
    %min3A_19 = vector.broadcast %min3A : f32 to vector<4000x64xf32>
    %min3A_20 = arith.minimumf %add3A_16, %min3A_19 : vector<4000x64xf32>
    %exp3A = math.exp %min3A_20 : vector<4000x64xf32>
    %sub3A = arith.constant 1.000000e+00 : f32
    %sub3A_21 = vector.broadcast %sub3A : f32 to vector<4000x64xf32>
    %sub3A_22 = arith.subf %exp3A, %sub3A_21 : vector<4000x64xf32>
    %select_n3A = arith.select %gt3A_18, %add3A_16, %sub3A_22 : vector<4000x64xi1>, vector<4000x64xf32>
    %get3A_23 = arith.constant 0 : index
    %get3A_24 = arith.constant 0 : index
    %get3A_25 = vector.load %arg5[%get3A_23, %get3A_24] : memref<64x64xf32, #tpu.memory_space<vmem>>, vector<64x64xf32>
    %dot_general3A_26 = arith.constant dense<0.000000e+00> : vector<4000x64xf32>
    %dot_general3A_27 = tpu.matmul %select_n3A, %get3A_25, %dot_general3A_26 {dimension_numbers = #tpu.dot_dimension_numbers<[1], [0], [0], [1], [0, 0, 1, 1], [], []>, transpose_lhs_hint = false} : vector<4000x64xf32>, vector<64x64xf32>, vector<4000x64xf32> -> vector<4000x64xf32>
    %get3A_28 = arith.constant 0 : index
    %get3A_29 = arith.constant 0 : index
    %get3A_30 = vector.load %arg6[%get3A_28, %get3A_29] : memref<1x64xf32, #tpu.memory_space<vmem>>, vector<1x64xf32>
    %add3A_31 = vector.broadcast %get3A_30 : vector<1x64xf32> to vector<4000x64xf32>
    %add3A_32 = arith.addf %dot_general3A_27, %add3A_31 : vector<4000x64xf32>
    %logistic3A = arith.negf %add3A_32 : vector<4000x64xf32>
    %logistic3A_33 = math.exp %logistic3A : vector<4000x64xf32>
    %logistic3A_34 = arith.constant 1.000000e+00 : f32
    %logistic3A_35 = vector.broadcast %logistic3A_34 : f32 to vector<4000x64xf32>
    %logistic3A_36 = arith.addf %logistic3A_35, %logistic3A_33 : vector<4000x64xf32>
    %logistic3A_37 = arith.divf %logistic3A_35, %logistic3A_36 : vector<4000x64xf32>
    %swap3A = arith.constant 0 : index
    %swap3A_38 = arith.constant 0 : index
    %swap3A_39 = vector.load %arg8[%swap3A, %swap3A_38] : memref<4000x64xf32, #tpu.memory_space<vmem>>, vector<4000x64xf32>
    tpu.vector_store %arg8[%swap3A, %swap3A_38], %logistic3A_37 {strides = array<i32>} : memref<4000x64xf32, #tpu.memory_space<vmem>>, vector<4000x64xf32>,
    %sub3A_40 = arith.subf %get3A_1, %get3A_4 : vector<4000x64xf32>
    %mul3A = arith.mulf %sub3A_40, %logistic3A_37 : vector<4000x64xf32>
    %add3A_41 = arith.addf %get3A_4, %mul3A : vector<4000x64xf32>
    %swap3A_42 = arith.constant 0 : index
    %swap3A_43 = arith.constant 0 : index
    %swap3A_44 = vector.load %arg7[%swap3A_42, %swap3A_43] : memref<4000x64xf32, #tpu.memory_space<vmem>>, vector<4000x64xf32>
    tpu.vector_store %arg7[%swap3A_42, %swap3A_43], %add3A_41 {strides = array<i32>} : memref<4000x64xf32, #tpu.memory_space<vmem>>, vector<4000x64xf32>,
    return
  }
  func.func @transform_0(%arg0: i32) -> (i32, i32) {
    %c0_i32 = arith.constant 0 : i32
    %c0_i32_0 = arith.constant 0 : i32
    return %arg0, %c0_i32 : i32, i32
  }
  func.func @transform_1(%arg0: i32) -> (i32, i32) {
    %c0_i32 = arith.constant 0 : i32
    %c0_i32_0 = arith.constant 0 : i32
    return %arg0, %c0_i32 : i32, i32
  }
  func.func @transform_2(%arg0: i32) -> (i32, i32) {
    %c0_i32 = arith.constant 0 : i32
    %c0_i32_0 = arith.constant 0 : i32
    %c0_i32_1 = arith.constant 0 : i32
    return %c0_i32, %c0_i32_0 : i32, i32
  }
  func.func @transform_3(%arg0: i32) -> (i32, i32) {
    %c0_i32 = arith.constant 0 : i32
    %c0_i32_0 = arith.constant 0 : i32
    %c0_i32_1 = arith.constant 0 : i32
    return %c0_i32, %c0_i32_0 : i32, i32
  }
  func.func @transform_4(%arg0: i32) -> (i32, i32) {
    %c0_i32 = arith.constant 0 : i32
    %c0_i32_0 = arith.constant 0 : i32
    %c0_i32_1 = arith.constant 0 : i32
    return %c0_i32, %c0_i32_0 : i32, i32
  }
  func.func @transform_5(%arg0: i32) -> (i32, i32) {
    %c0_i32 = arith.constant 0 : i32
    %c0_i32_0 = arith.constant 0 : i32
    %c0_i32_1 = arith.constant 0 : i32
    return %c0_i32, %c0_i32_0 : i32, i32
  }
  func.func @transform_6(%arg0: i32) -> (i32, i32) {
    %c0_i32 = arith.constant 0 : i32
    %c0_i32_0 = arith.constant 0 : i32
    return %arg0, %c0_i32 : i32, i32
  }
  func.func @transform_7(%arg0: i32) -> (i32, i32) {
    %c0_i32 = arith.constant 0 : i32
    %c0_i32_0 = arith.constant 0 : i32
    return %arg0, %c0_i32 : i32, i32
  }
}

</mosaic_0001>

<sc_bundles>
// kernel: sparse-core-data-format-call.1.cloned.1.call-start
scs
called_computation.1_lowered:
.L_overlay_start_0:
0x0: {  	s2 =	sld [smem:$0x3FD9]  }
0x1: {  	s3 =	sld [smem:$0x3FFE];
	_ =	sdelay $0x1  }
0x2: {  	s1 =	srdreg.scid  }
0x3: {  	s0 =	sand.u32 $0x1, s1  }
0x4: {  	s16 =	sshll.u32 s0, $0xA;
	s2 =	sadd.s32 s3, s2  }
0x5: {  	s2 =	sadd.s32 s2, s16  }
0x6: {  	[smem:$0x3FC2] =	sst s2  }
0x7: {  	_ = 	snop  }
0x8: {  	s2 =	sld [smem:$0x3FD0];
	_ =	sdelay $0x2  }
0x9: {  	s17 =	simm.s32 $0xB;
	s4 =	simm.s32 $0x10  }
0xa: {  	[smem:s4], [sflag:s17] =	dma.local [hbm:s2], $0x1  }
0xb: {  	_ =	swait.eq [sflag:s17], $0x1  }
0xc: {  	[sflag:s17] =	ssyncset.done $0x0  }
0xd: {  	[sflag:s17] =	ssyncadd.s32 $0xFFFFFFFF  }
0xe: {  	s18 =	sld [smem:$0x10];
	(tm) =	ssettm $0x1  }
0xf: {  	s19 =	sld [smem:$0x3FFB];
	_ =	sdelay $0x3  }
0x10: {  	_ =	strace s19  }
0x11: {  	s2 =	sld [smem:$0x3FFC];
	_ =	sdelay $0x3  }
0x12: {  	_ =	strace s2  }
0x13: {  	s2 =	sld [smem:$0x3FFD];
	_ =	sdelay $0x3  }
0x14: {  	_ =	strace s2  }
0x15: {  	_ =	strace $0x8FFFFFFF  }
0x16: {  	s20 =	sld [smem:$0x3FDB];
	_ =	sdelay $0x1  }
0x17: {  	s21 =	simm.s32 $_scs_section_size  }
0x18: {  	s5 =	simm.s32 $_size__tile_overlayer_lowered;
	s6 =	simm.s32 $_tile_overlayer_lowered  }
0x19: {  	s7 =	simm.s32 $0x1BFF;
	s22 =	sshll.u32 s6, $0x1;
	s4 =	sadd.s32 s21, s20  }
0x1a: {  	s23 =	simm.s32 $0x0;
	s5 =	sshll.u32 s5, $0x1;
	s6 =	sadd.s32 s22, s4  }
0x1b: {  	[timem:s23], [sflag:s7] =	dma.local [hbm:s6], s5  }
0x1c: {  	_ =	swait.ge [sflag:s7], s5  }
0x1d: {  	s5 =	ssub.s32 $0x0, s5;
	[sflag:s7] =	ssyncset.done $0x0  }
0x1e: {  	[sflag:s7] =	ssyncadd.s32 s5;
	_ =	sdelay $0x1  }
0x1f: {  	s24 =	simm.s32 $0x1B8B  }
0x20: {  	_ =	swait.ge [sflag:s24], $0x1  }
0x21: {  	[sflag:s24] =	ssyncset.done $0x0  }
0x22: {  	[sflag:s24] =	ssyncadd.s32 $0xFFFFFFFF  }
0x23: {  	s5 =	sld [smem:$0x0]  }
0x24: {  	s6 =	sand.u32 $0xFFFFFFFE, s1  }
0x25: {  	p0 =	sne.s32 s1, s6  }
0x26: {  	s6 =	sshll.u32 @p0 s6, $0xE  }
0x27: {  	s6 =	sadd.s32 @p0 $0x11B8D, s6;
	s7 =	sshll.u32 @p0 s5, $0x11  }
0x28: {  	s6 =	sor.u32 @p0 s7, s6  }
0x29: {  	[sflag:s6] =	ssyncadd.remote.s32 @p0 $0x1;
	_ =	sdelay $0x1  }
0x2a: {  	s6 =	simm.s32 @p0 $0x1B8D  }
0x2b: {  	_ =	swait.eq @p0 [sflag:s6], $0x1  }
0x2c: {  	[sflag:s6] =	ssyncadd.s32 @p0 $0xFFFFFFFF  }
0x2d: {  	s7 =	sshll.u32 @!p0 s1, $0xE  }
0x2e: {  	s7 =	sor.u32 @!p0 $0x4000, s7;
	s6 =	simm.s32 @!p0 $0x1B8D  }
0x2f: {  	s5 =	sshll.u32 @!p0 s5, $0x11;
	s7 =	sadd.s32 @!p0 $0x11B8D, s7;
	_ =	swait.eq @!p0 [sflag:s6], $0x1  }
0x30: {  	s5 =	sor.u32 @!p0 s5, s7;
	[sflag:s6] =	ssyncadd.s32 @!p0 $0xFFFFFFFF  }
0x31: {  	s26 =	simm.s32 $0x1B8E;
	s25 =	sld [smem:$0x3FFE];
	[sflag:s5] =	ssyncadd.remote.s32 @!p0 $0x1  }
0x32: {  	s27 =	simm.s32 $execute0_lowered;
	[smem:$0x3FD2] =	sst s26  }
0x33: {  	s6 =	sshll.u32 s27, $0x1;
	_ =	strace $0x80000049;
	[dreg:$0x1] =	wrdreg $0xFFFFFFFF  }
0x34: {  	s28 =	simm.s32 $_size_execute0_lowered;
	s4 =	sadd.s32 s4, s6;
	[dreg:$0x0] =	wrdreg $0x0  }
0x35: {  	s6 =	sshll.u32 s28, $0x1;
	[dreg:$0x2] =	wrdreg s4  }
0x36: {  	[dreg:$0x3] =	wrdreg s6  }
0x37: {  	[dreg:$0x4] =	wrdreg $0xC0  }
0x38: {  	_ =	task [dreg:s23], $0x5FFFF  }
0x39: {  	[dreg:$0x1] =	wrdreg $0xFFFFFFFF  }
0x3a: {  	[dreg:$0x0] =	wrdreg $0x60  }
0x3b: {  	[dreg:$0x2] =	wrdreg s25  }
0x3c: {  	[dreg:$0x3] =	wrdreg s18  }
0x3d: {  	[dreg:$0x4] =	wrdreg $0xA  }
0x3e: {  	_ =	task.clear_ibuf [dreg:s23], $0x5FFFF;
	_ =	strace $0x90000049  }
0x3f: {  	s29 =	simm.s32 $0xA;
	_ =	strace $0x8000004B  }
0x40: {  	_ =	swait.ge [sflag:s29], $0x1  }
0x41: {  	[sflag:s29] =	ssyncadd.s32 $0xFFFFFFFF  }
0x42: {  	_ =	strace $0x9000004B  }
0x43: {  	_ =	sfence  }
0x44: {  	s30 =	sld [smem:$0x0];
	_ =	sdelay $0x2  }
0x45: {  	s31 =	sshll.u32 s1, $0xD;
	s1 =	sshrl.u32 s1, $0x2  }
0x46: {  	s4 =	sand.u32 $0x4000, s31;
	s1 =	sadd.s32 s1, s30  }
0x47: {  	s0 =	sor.u32 s4, s0;
	s1 =	sshll.u32 s1, $0x11  }
0x48: {  	s0 =	sor.u32 s1, s0  }
0x49: {  	s0 =	sadd.s32 $0x8F2B, s0  }
0x4a: {  	[sflag:s0] =	ssyncadd.remote.s32 $0x1  }
0x4b: {  	_ =	sfence.sel $0xFFFF  }
0x4c: {  	[dreg:$0x0] =	wrdreg $0xFFFFFFFF;
	(pc) =	sbr.abs _section_cstart, $3  }
0x4d: {  	[dreg:$0x1] =	wrdreg $0xFFFFFFFF  }
0x4e: {  	_ =	task.clear_ibuf [dreg:s23], $0x2FFFF;
	_ =	strace $0x9FFFFFFF  }
0x4f: {  	(tm) =	ssettm $0x7FFFFFFF  }
tec
execute0_lowered:
.L_overlay_start_1:
0x0: {  	(tag) =	ssettag $0x1  }
0x1: {  	s3 =	rddreg [dreg:$0x0]  }
0x2: {  	s2 =	rddreg [dreg:$0x1];
	s1 =	stileid.u32  }
0x3: {  	s4 =	srdreg.scid;
	s0 =	rddreg [dreg:$0x2];
	_ =	strace $0x8000004A  }
0x4: {  	s7 =	simm.s32 $0x2;
	s14 =	simm.s32 $0x0;
	p0 =	por $0x0, $0x0  }
0x5: {  	s9 =	simm.s32 $0xC3800;
	s5 =	sshll.u32 s1, $0x5;
	s4 =	sshll.u32 s4, $0x9  }
.Ltmp0:
0x6: {  	s13 =	simm.s32 $0x0;
	s4 =	sor.u32 s5, s4;
	(pc) =	sbr.rel .LBB1_1-.Ltmp0, $4  }
0x7: {  	s12 =	simm.s32 $0x0;
	s5 =	simm.s32 $0x1;
	s4 =	sand.u32 $0x380, s4  }
0x8: {  	s3 =	sadd.s32 $0x495A00, s3;
	[sflag:s5] =	ssyncpa.u1 $0x0;
	s8 =	ssub.s32 $0x18680, s4  }
0x9: {  	s6 =	sand.u32 $0x3, s1;
	[sflag:s7] =	ssyncpa.u1 $0x0;
	s7 =	sshrl.u32 s8, $0xA  }
0xa: {  	s11 =	smov.u32 s6;
	s10 =	smov.u32 s4;
	s8 =	sor.u32 $0x2, s7  }
.LBB1_5:
0xb: {  	s15 =	sadd.s32 $0x400, s10  }
0xc: {  	s13 =	sadd.s32 $0x4, s11;
	s17 =	smov.u32 s11;
	p2 =	sgt.s32 s15, $0x1869F  }
0xd: {  	s17 =	smov.u32 @p2 s13  }
0xe: {  	s15 =	smov.u32 @p2 s4;
	p2 =	sgt.s32 s17, $0x3  }
0xf: {  	s17 =	smov.u32 @p2 s6;
	p2 =	sne.s32 s12, s8  }
.Ltmp1:
0x10: {  	p1 =	slt.u32 s12, $0x2;
	(pc) =	sbr.rel @!p2 .LBB1_6-.Ltmp1, $4  }
0x11: {  	s16 =	simm.s32 @!p1 $0x2  }
0x12: {  	s14 =	smov.u32 s10;
	p0 =	por !p0, !p0;
	_ =	swait.ge @!p1 [sflag:s16], $0x2000  }
0x13: {  	s13 =	smov.u32 s11;
	[sflag:s16] =	ssyncset.done @!p1 $0x0;
	s10 =	smov.u32 s15  }
0x14: {  	s12 =	sadd.s32 $0x1, s12;
	[sflag:s16] =	ssyncadd.s32 @!p1 $0xFFFFE000;
	s11 =	smov.u32 s17  }
.LBB1_1:
0x15: {  	p1 =	sgt.u32 s12, s7  }
0x16: {  	s17 =	smov.u32 s11;
	s19 =	smov.u32 s10;
	p2 =	sgt.s32 @!p1 s11, $0x3  }
0x17: {  	s15 =	sand.u32 @!p1 $0x1FFFFFF, s10;
	s18 =	sshra.s32 @!p1 s11, $0x1F;
	p2 =	por !p2, p1  }
0x18: {  	s20 =	sshra.s32 @!p1 s10, $0x1F;
	s17 =	simm.s32 @p2 $0x3;
	p2 =	sgt.s32 @!p1 s10, $0x18620  }
0x19: {  	s16 =	smulhi.u32 @!p1 $0x14F8B59, s15;
	s18 =	sand.u32 @!p1 s18, s11;
	p2 =	por !p2, p1  }
0x1a: {  	s17 =	ssub.s32 @!p1 s17, s18;
	s18 =	sand.u32 @!p1 s20, s10;
	s19 =	simm.s32 @p2 $0x18620  }
0x1b: {  	s17 =	sadd.s32 @!p1 $0xFFFFFFFD, s17;
	s18 =	ssub.s32 @!p1 s19, s18  }
0x1c: {  	s16 =	sshrl.u32 @!p1 s16, $0x9;
	p2 =	sgt.s32 @!p1 s17, $0x0;
	s19 =	sadd.s32 @!p1 $0xFFFE79E0, s18  }
0x1d: {  	s17 =	sshll.u32 @!p1 s17, $0x6;
	s18 =	ssub.s32 @!p1 $0x186A0, s18;
	p3 =	sgt.s32 @!p1 s19, $0x7F  }
0x1e: {  	s17 =	ssub.s32 @!p1 $0x40, s17;
	p2 =	por !p2, p1;
	p3 =	por !p3, p1  }
0x1f: {  	s16 =	smul.u32 @!p1 $0x186A0, s16;
	s17 =	simm.s32 @!p2 $0x0;
	s18 =	simm.s32 @!p3 $0x0  }
0x20: {  	s19 =	sxor.u32 @!p1 $0xFFFFFFFF, s12;
	s17 =	smul.u32 @!p1 s18, s17  }
0x21: {  	s15 =	ssub.s32 @!p1 s15, s16;
	s18 =	sshll.u32 @!p1 s19, $0xD;
	s19 =	smul.u32 @!p1 $0x186A00, s11  }
0x22: {  	s15 =	sshll.u32 @!p1 s15, $0x4  }
0x23: {  	s18 =	sand.u32 @!p1 $0x2000, s18;
	s16 =	sand.u32 @!p1 $0x3FFFFFC0, s17;
	s17 =	sadd.s32 @!p1 s3, s19  }
0x24: {  	s19 =	simm.s32 @!p1 $0x80;
	s15 =	sadd.s32 @!p1 s15, s17;
	s17 =	simm.s32 @!p1 $0x40  }
0x25: {  	[tilespmem:s18], [sflag:$0x1] =	stream.strided.gather @!p1 [hbm4b:s15+s17], s16, s19, s17, $0x38;
	[tilespmem:$0x8080] =	vst v63  }
0x26: {  	p1 =	seq.s32 s12, $0x0  }
0x27: {  	p2 =	sge.u32 @!p1 s12, s8  }
0x28: {  	p1 =	por p1, p2  }
.Ltmp2:
0x29: {  	_ = 	snop;
	(pc) =	sbr.rel @p1 .LBB1_5-.Ltmp2, $1  }
0x2a: {  	_ =	sdelay $0x3  }
0x2b: {  	p1 =	sgt.s32 s13, $0x3;
	s15 =	smov.u32 s13  }
0x2c: {  	s16 =	sshra.s32 s13, $0x1F;
	s17 =	smov.u32 s14;
	s18 =	sshra.s32 s14, $0x1F  }
0x2d: {  	s15 =	simm.s32 @!p1 $0x3;
	s16 =	sand.u32 s16, s13;
	p1 =	sgt.s32 s14, $0x18620  }
0x2e: {  	s27 =	sand.u32 s18, s14;
	s15 =	ssub.s32 s15, s16;
	s17 =	simm.s32 @!p1 $0x18620  }
0x2f: {  	s15 =	sadd.s32 $0xFFFFFFFD, s15;
	s16 =	ssub.s32 s17, s27  }
0x30: {  	p1 =	sgt.s32 s15, $0x0;
	s17 =	sadd.s32 $0xFFFE79E0, s16;
	s15 =	sshll.u32 s15, $0x6  }
0x31: {  	s16 =	ssub.s32 $0x186A0, s16;
	p2 =	sgt.s32 s17, $0x7F;
	s15 =	ssub.s32 $0x40, s15  }
0x32: {  	s16 =	simm.s32 @p2 $0x0;
	s15 =	simm.s32 @p1 $0x0  }
0x33: {  	s15 =	smul.u32 s16, s15;
	_ =	sdelay $0x1  }
0x34: {  	s16 =	simm.s32 $0x1;
	s15 =	sand.u32 $0x3FFFFFC0, s15  }
0x35: {  	s16 =	simm.s32 @!p0 $0x0;
	_ =	swait.ge [sflag:s5], s15  }
0x36: {  	s28 =	sshll.u32 s16, $0xD;
	s15 =	ssub.s32 $0x0, s15;
	[sflag:s5] =	ssyncset.done $0x0  }
0x37: {  	s19 =	sor.u32 $0x20, s28;
	[sflag:s5] =	ssyncadd.s32 s15  }
0x38: {  	s29 =	smul.u32 $0x8100, s16;
	v3 =	vld [tilespmem:s19+$0x10]  }
0x39: {  	s30 =	sand.u32 $0x1, s12;
	v2 =	vld [tilespmem:s19+$0xFFFFFFF0]  }
0x3a: {  	s16 =	smul.u32 $0x8100, s30;
	s15 =	sshrl.u32 s29, $0x2;
	v0 =	vld [tilespmem:s19+$0x0]  }
0x3b: {  	s17 =	sor.u32 $0x4000, s15;
	v1 =	vld [tilespmem:s19+$0xFFFFFFE0]  }
0x3c: {  	s31 =	sshrl.u32 s16, $0x2;
	s16 =	sadd.s32 $0x0, s17  }
0x3d: {  	s18 =	simm.s32 $0x4;
	s15 =	sor.u32 $0x4000, s31;
	s19 =	sadd.s32 $0x40, s19;
	[tilespmem:s16+$0x1830 ss:$0x81] =	vst.msk $0xffff, v3  }
.LBB1_3:
0x3e: {  	v3 =	vld [tilespmem:s19+$0x10];
	p1 =	sne.s32 s18, $0x1FC;
	[tilespmem:s16+$0x810 ss:$0x81] =	vst.msk $0xffff, v2;
	s20 =	smov.u32 s18;
	s18 =	sadd.s32 $0x4, s18  }
.Ltmp3:
0x3f: {  	v2 =	vld [tilespmem:s19+$0xFFFFFFF0];
	[tilespmem:s16+$0x1020 ss:$0x81] =	vst.msk $0xffff, v0;
	(pc) =	sbr.rel @p1 .LBB1_3-.Ltmp3, $4  }
0x40: {  	v0 =	vld [tilespmem:s19+$0x0];
	[tilespmem:s16+$0x0 ss:$0x81] =	vst.msk $0xffff, v1  }
0x41: {  	s16 =	sshra.s32 s20, $0x2;
	v1 =	vld [tilespmem:s19+$0xFFFFFFE0]  }
0x42: {  	s16 =	sadd.s32 s16, s17  }
0x43: {  	s19 =	sadd.s32 $0x40, s19;
	[tilespmem:s16+$0x1830 ss:$0x81] =	vst.msk $0xffff, v3  }
0x44: {  	s17 =	sshll.u32 s14, $0x3  }
0x45: {  	s29 =	sand.u32 $0x7F, s14;
	s17 =	sand.u32 $0xFFFFFC00, s17  }
0x46: {  	s14 =	sor.u32 s29, s17;
	s17 =	smulhi.u32 $0xA79C7B17, s17  }
0x47: {  	s18 =	smulhi.u32 $0xA79C7B17, s14;
	_ =	sdelay $0x1  }
0x48: {  	s13 =	smul.u32 $0xC3800, s13;
	s17 =	sshrl.u32 s17, $0x10;
	s18 =	sshrl.u32 s18, $0x10  }
0x49: {  	s17 =	sand.u32 $0x3F, s17;
	s18 =	smul.u32 $0x18700, s18  }
0x4a: {  	s17 =	smul.u32 $0x30E0, s17  }
.Ltmp4:
0x4b: {  	s14 =	ssub.s32 s14, s18;
	(pc) =	sbr.rel .LBB1_5-.Ltmp4, $4  }
0x4c: {  	[tilespmem:s16+$0x810 ss:$0x81] =	vst.msk $0xffff, v2;
	s13 =	sadd.s32 s2, s13;
	s18 =	sand.u32 $0x7, s14  }
0x4d: {  	[tilespmem:s16+$0x1020 ss:$0x81] =	vst.msk $0xffff, v0;
	s13 =	sadd.s32 s17, s13;
	s14 =	sshrl.u32 s14, $0x3;
	s30 =	sshll.u32 s18, $0x12  }
0x4e: {  	[tilespmem:s16+$0x0 ss:$0x81] =	vst.msk $0xffff, v1;
	s13 =	sadd.s32 s14, s13;
	s31 =	sor.u32 $0x400, s30  }
0x4f: {  	[hbm4b:s13+s31] =	stream.strided.scatter [tilespmem:s15], [sflag:$0x2], $0x2000, s9, s31, $0x20;
	[tilespmem:$0x8080] =	vst v63  }
.LBB1_6:
0x50: {  	_ =	sfence.sel $0x180000  }
0x51: {  	s2 =	simm.s32 $0x1;
	[bflag:$0x0] =	sbarrier.arrive $0xFFFF  }
0x52: {  	s31 =	simm.s32 $0x2;
	[sflag:s2] =	ssyncpa.u1 $0x1  }
0x53: {  	[sflag:s31] =	ssyncpa.u1 $0x1  }
0x54: {  	p0 =	sne.s32 s1, $0x0;
	_ =	strace $0x9000004A  }
0x55: {  	s0 =	sadd.s32 @!p0 $0x100000, s0;
	[bflag:$0x2] =	sbarrier.arrive $0xFFFF  }
0x56: {  	[sflag:s0] =	ssyncadd.tile.s32 @!p0 $0x1;
	_ =	shalt  }
.Lfunc_end1:
_tile_overlayer_lowered:
.L_overlay_start_2:
0x57: {  	(tag) =	ssettag $0x2  }
0x58: {  	s0 =	rddreg [dreg:$0x0];
	s2 =	stileid.u32  }
0x59: {  	s1 =	rddreg [dreg:$0x1];
	p0 =	sne.s32 s2, $0x0  }
0x5a: {  	s3 =	rddreg [dreg:$0x2];
	[bflag:$0x3] =	sbarrier.arrive $0xFFFF;
	s2 =	simm.s32 @!p0 $0x1C01  }
0x5b: {  	[timem:s3], [sflag:s2] =	dma.local @!p0 [hbm:s0], s1  }
0x5c: {  	s0 =	simm.s32 @!p0 $0x1  }
0x5d: {  	_ =	swait.ge @!p0 [sflag:s0], s1  }
0x5e: {  	s1 =	ssub.s32 @!p0 $0x0, s1;
	[sflag:s0] =	ssyncset.done @!p0 $0x0  }
0x5f: {  	[sflag:s0] =	ssyncadd.s32 @!p0 s1  }
0x60: {  	[bflag:$0x3] =	sbarrier.arrive $0xFFFF  }
0x61: {  	_ =	shalt  }

// kernel: sparse-core-data-format-call.cloned.1.call-start
scs
called_computation_lowered:
.L_overlay_start_0:
0x0: {  	s2 =	sld [smem:$0x3FD9]  }
0x1: {  	s3 =	sld [smem:$0x3FFE];
	_ =	sdelay $0x1  }
0x2: {  	s1 =	srdreg.scid  }
0x3: {  	s0 =	sand.u32 $0x1, s1  }
0x4: {  	s15 =	sshll.u32 s0, $0xA;
	s2 =	sadd.s32 s3, s2  }
0x5: {  	s2 =	sadd.s32 s2, s15  }
0x6: {  	[smem:$0x3FC2] =	sst s2  }
0x7: {  	_ = 	snop  }
0x8: {  	s2 =	sld [smem:$0x3FD0];
	_ =	sdelay $0x2  }
0x9: {  	s16 =	simm.s32 $0xB;
	s4 =	simm.s32 $0x10  }
0xa: {  	[smem:s4], [sflag:s16] =	dma.local [hbm:s2], $0x1  }
0xb: {  	_ =	swait.eq [sflag:s16], $0x1  }
0xc: {  	[sflag:s16] =	ssyncset.done $0x0  }
0xd: {  	[sflag:s16] =	ssyncadd.s32 $0xFFFFFFFF  }
0xe: {  	s17 =	sld [smem:$0x11];
	(tm) =	ssettm $0x1  }
0xf: {  	s18 =	sld [smem:$0x3FFB];
	_ =	sdelay $0x3  }
0x10: {  	_ =	strace s18  }
0x11: {  	s3 =	sld [smem:$0x3FFC];
	_ =	sdelay $0x3  }
0x12: {  	_ =	strace s3  }
0x13: {  	s3 =	sld [smem:$0x3FFD];
	_ =	sdelay $0x3  }
0x14: {  	_ =	strace s3  }
0x15: {  	_ =	strace $0x8FFFFFFF  }
0x16: {  	s19 =	sld [smem:$0x3FDB];
	_ =	sdelay $0x1  }
0x17: {  	s20 =	simm.s32 $_scs_section_size  }
0x18: {  	s5 =	simm.s32 $_size__tile_overlayer_lowered;
	s6 =	simm.s32 $_tile_overlayer_lowered  }
0x19: {  	s23 =	simm.s32 $0x1BFF;
	s22 =	sshll.u32 s6, $0x1;
	s3 =	sadd.s32 s20, s19  }
0x1a: {  	s7 =	simm.s32 $0x0;
	s21 =	sshll.u32 s5, $0x1;
	s5 =	sadd.s32 s22, s3  }
0x1b: {  	[timem:s7], [sflag:s23] =	dma.local [hbm:s5], s21  }
0x1c: {  	_ =	swait.ge [sflag:s23], s21  }
0x1d: {  	s4 =	ssub.s32 $0x0, s21;
	[sflag:s23] =	ssyncset.done $0x0  }
0x1e: {  	[sflag:s23] =	ssyncadd.s32 s4;
	_ =	sdelay $0x1  }
0x1f: {  	s24 =	simm.s32 $0x1B8B  }
0x20: {  	_ =	swait.ge [sflag:s24], $0x1  }
0x21: {  	[sflag:s24] =	ssyncset.done $0x0  }
0x22: {  	s26 =	simm.s32 $0x1B8E;
	s25 =	sld [smem:$0x3FFE];
	[sflag:s24] =	ssyncadd.s32 $0xFFFFFFFF  }
0x23: {  	s27 =	simm.s32 $execute0_lowered;
	[smem:$0x3FD2] =	sst s26  }
0x24: {  	s5 =	sshll.u32 s27, $0x1;
	_ =	strace $0x80000046;
	[dreg:$0x1] =	wrdreg $0xFFFFFFFF  }
0x25: {  	s28 =	simm.s32 $_size_execute0_lowered;
	s3 =	sadd.s32 s3, s5;
	[dreg:$0x0] =	wrdreg $0x0  }
0x26: {  	s5 =	sshll.u32 s28, $0x1;
	[dreg:$0x2] =	wrdreg s3  }
0x27: {  	[dreg:$0x3] =	wrdreg s5  }
0x28: {  	[dreg:$0x4] =	wrdreg $0xC0  }
0x29: {  	_ =	task [dreg:s7], $0x5FFFF  }
0x2a: {  	[dreg:$0x1] =	wrdreg $0xFFFFFFFF  }
0x2b: {  	[dreg:$0x0] =	wrdreg $0x60  }
0x2c: {  	[dreg:$0x2] =	wrdreg s25  }
0x2d: {  	[dreg:$0x3] =	wrdreg s17  }
0x2e: {  	[dreg:$0x4] =	wrdreg $0x9  }
0x2f: {  	_ =	task.clear_ibuf [dreg:s7], $0x5FFFF;
	_ =	strace $0x90000046  }
0x30: {  	s29 =	simm.s32 $0x9;
	_ =	strace $0x80000048  }
0x31: {  	_ =	swait.ge [sflag:s29], $0x1  }
0x32: {  	[sflag:s29] =	ssyncadd.s32 $0xFFFFFFFF  }
0x33: {  	_ =	strace $0x90000048  }
0x34: {  	_ =	sfence  }
0x35: {  	s30 =	sld [smem:$0x0];
	_ =	sdelay $0x2  }
0x36: {  	s31 =	sshll.u32 s1, $0xD;
	s1 =	sshrl.u32 s1, $0x2  }
0x37: {  	s3 =	sand.u32 $0x4000, s31;
	s1 =	sadd.s32 s1, s30  }
0x38: {  	s0 =	sor.u32 s3, s0;
	s1 =	sshll.u32 s1, $0x11  }
0x39: {  	s0 =	sor.u32 s1, s0  }
0x3a: {  	s0 =	sadd.s32 $0x8F2B, s0  }
0x3b: {  	[sflag:s0] =	ssyncadd.remote.s32 $0x1  }
0x3c: {  	_ =	sfence.sel $0xFFFF  }
0x3d: {  	[dreg:$0x0] =	wrdreg $0xFFFFFFFF;
	(pc) =	sbr.abs _section_cstart, $3  }
0x3e: {  	[dreg:$0x1] =	wrdreg $0xFFFFFFFF  }
0x3f: {  	_ =	task.clear_ibuf [dreg:s7], $0x2FFFF;
	_ =	strace $0x9FFFFFFF  }
0x40: {  	(tm) =	ssettm $0x7FFFFFFF  }
0x41: {  	_ =	shalt  }
tec
execute0_lowered:
.L_overlay_start_1:
0x0: {  	(tag) =	ssettag $0x1  }
0x1: {  	s3 =	rddreg [dreg:$0x0]  }
0x2: {  	s2 =	rddreg [dreg:$0x1];
	s1 =	stileid.u32  }
0x3: {  	s4 =	srdreg.scid;
	s0 =	rddreg [dreg:$0x2];
	_ =	strace $0x80000047  }
0x4: {  	s7 =	simm.s32 $0x2;
	s14 =	simm.s32 $0x0;
	p0 =	por $0x0, $0x0  }
0x5: {  	s9 =	simm.s32 $0xC3800;
	s5 =	sshll.u32 s1, $0x5;
	s4 =	sshll.u32 s4, $0x9  }
.Ltmp0:
0x6: {  	s13 =	simm.s32 $0x0;
	s4 =	sor.u32 s5, s4;
	(pc) =	sbr.rel .LBB1_1-.Ltmp0, $4  }
0x7: {  	s12 =	simm.s32 $0x0;
	s5 =	simm.s32 $0x1;
	s4 =	sand.u32 $0x380, s4  }
0x8: {  	s3 =	sadd.s32 $0xDBE400, s3;
	[sflag:s5] =	ssyncpa.u1 $0x0;
	s8 =	ssub.s32 $0x18680, s4  }
0x9: {  	s6 =	sand.u32 $0x3, s1;
	[sflag:s7] =	ssyncpa.u1 $0x0;
	s7 =	sshrl.u32 s8, $0xA  }
0xa: {  	s11 =	smov.u32 s6;
	s10 =	smov.u32 s4;
	s8 =	sor.u32 $0x2, s7  }
.LBB1_5:
0xb: {  	s15 =	sadd.s32 $0x400, s10  }
0xc: {  	s13 =	sadd.s32 $0x4, s11;
	s17 =	smov.u32 s11;
	p2 =	sgt.s32 s15, $0x1869F  }
0xd: {  	s17 =	smov.u32 @p2 s13  }
0xe: {  	s15 =	smov.u32 @p2 s4;
	p2 =	sgt.s32 s17, $0x3  }
0xf: {  	s17 =	smov.u32 @p2 s6;
	p2 =	sne.s32 s12, s8  }
.Ltmp1:
0x10: {  	p1 =	slt.u32 s12, $0x2;
	(pc) =	sbr.rel @!p2 .LBB1_6-.Ltmp1, $4  }
0x11: {  	s16 =	simm.s32 @!p1 $0x2  }
0x12: {  	s14 =	smov.u32 s10;
	p0 =	por !p0, !p0;
	_ =	swait.ge @!p1 [sflag:s16], $0x2000  }
0x13: {  	s13 =	smov.u32 s11;
	[sflag:s16] =	ssyncset.done @!p1 $0x0;
	s10 =	smov.u32 s15  }
0x14: {  	s12 =	sadd.s32 $0x1, s12;
	[sflag:s16] =	ssyncadd.s32 @!p1 $0xFFFFE000;
	s11 =	smov.u32 s17  }
.LBB1_1:
0x15: {  	p1 =	sgt.u32 s12, s7  }
0x16: {  	s17 =	smov.u32 s11;
	s19 =	smov.u32 s10;
	p2 =	sgt.s32 @!p1 s11, $0x3  }
0x17: {  	s15 =	sand.u32 @!p1 $0x1FFFFFF, s10;
	s18 =	sshra.s32 @!p1 s11, $0x1F;
	p2 =	por !p2, p1  }
0x18: {  	s20 =	sshra.s32 @!p1 s10, $0x1F;
	s17 =	simm.s32 @p2 $0x3;
	p2 =	sgt.s32 @!p1 s10, $0x18620  }
0x19: {  	s16 =	smulhi.u32 @!p1 $0x14F8B59, s15;
	s18 =	sand.u32 @!p1 s18, s11;
	p2 =	por !p2, p1  }
0x1a: {  	s17 =	ssub.s32 @!p1 s17, s18;
	s18 =	sand.u32 @!p1 s20, s10;
	s19 =	simm.s32 @p2 $0x18620  }
0x1b: {  	s17 =	sadd.s32 @!p1 $0xFFFFFFFD, s17;
	s18 =	ssub.s32 @!p1 s19, s18  }
0x1c: {  	s16 =	sshrl.u32 @!p1 s16, $0x9;
	p2 =	sgt.s32 @!p1 s17, $0x0;
	s19 =	sadd.s32 @!p1 $0xFFFE79E0, s18  }
0x1d: {  	s17 =	sshll.u32 @!p1 s17, $0x6;
	s18 =	ssub.s32 @!p1 $0x186A0, s18;
	p3 =	sgt.s32 @!p1 s19, $0x7F  }
0x1e: {  	s17 =	ssub.s32 @!p1 $0x40, s17;
	p2 =	por !p2, p1;
	p3 =	por !p3, p1  }
0x1f: {  	s16 =	smul.u32 @!p1 $0x186A0, s16;
	s17 =	simm.s32 @!p2 $0x0;
	s18 =	simm.s32 @!p3 $0x0  }
0x20: {  	s19 =	sxor.u32 @!p1 $0xFFFFFFFF, s12;
	s17 =	smul.u32 @!p1 s18, s17  }
0x21: {  	s15 =	ssub.s32 @!p1 s15, s16;
	s18 =	sshll.u32 @!p1 s19, $0xD;
	s19 =	smul.u32 @!p1 $0x186A00, s11  }
0x22: {  	s15 =	sshll.u32 @!p1 s15, $0x4  }
0x23: {  	s18 =	sand.u32 @!p1 $0x2000, s18;
	s16 =	sand.u32 @!p1 $0x3FFFFFC0, s17;
	s17 =	sadd.s32 @!p1 s3, s19  }
0x24: {  	s19 =	simm.s32 @!p1 $0x80;
	s15 =	sadd.s32 @!p1 s15, s17;
	s17 =	simm.s32 @!p1 $0x40  }
0x25: {  	[tilespmem:s18], [sflag:$0x1] =	stream.strided.gather @!p1 [hbm4b:s15+s17], s16, s19, s17, $0x38;
	[tilespmem:$0x8080] =	vst v63  }
0x26: {  	p1 =	seq.s32 s12, $0x0  }
0x27: {  	p2 =	sge.u32 @!p1 s12, s8  }
0x28: {  	p1 =	por p1, p2  }
.Ltmp2:
0x29: {  	_ = 	snop;
	(pc) =	sbr.rel @p1 .LBB1_5-.Ltmp2, $1  }
0x2a: {  	_ =	sdelay $0x3  }
0x2b: {  	p1 =	sgt.s32 s13, $0x3;
	s15 =	smov.u32 s13  }
0x2c: {  	s16 =	sshra.s32 s13, $0x1F;
	s17 =	smov.u32 s14;
	s18 =	sshra.s32 s14, $0x1F  }
0x2d: {  	s15 =	simm.s32 @!p1 $0x3;
	s16 =	sand.u32 s16, s13;
	p1 =	sgt.s32 s14, $0x18620  }
0x2e: {  	s27 =	sand.u32 s18, s14;
	s15 =	ssub.s32 s15, s16;
	s17 =	simm.s32 @!p1 $0x18620  }
0x2f: {  	s15 =	sadd.s32 $0xFFFFFFFD, s15;
	s16 =	ssub.s32 s17, s27  }
0x30: {  	p1 =	sgt.s32 s15, $0x0;
	s17 =	sadd.s32 $0xFFFE79E0, s16;
	s15 =	sshll.u32 s15, $0x6  }
0x31: {  	s16 =	ssub.s32 $0x186A0, s16;
	p2 =	sgt.s32 s17, $0x7F;
	s15 =	ssub.s32 $0x40, s15  }
0x32: {  	s16 =	simm.s32 @p2 $0x0;
	s15 =	simm.s32 @p1 $0x0  }
0x33: {  	s15 =	smul.u32 s16, s15;
	_ =	sdelay $0x1  }
0x34: {  	s16 =	simm.s32 $0x1;
	s15 =	sand.u32 $0x3FFFFFC0, s15  }
0x35: {  	s16 =	simm.s32 @!p0 $0x0;
	_ =	swait.ge [sflag:s5], s15  }
0x36: {  	s28 =	sshll.u32 s16, $0xD;
	s15 =	ssub.s32 $0x0, s15;
	[sflag:s5] =	ssyncset.done $0x0  }
0x37: {  	s19 =	sor.u32 $0x20, s28;
	[sflag:s5] =	ssyncadd.s32 s15  }
0x38: {  	s29 =	smul.u32 $0x8100, s16;
	v3 =	vld [tilespmem:s19+$0x10]  }
0x39: {  	s30 =	sand.u32 $0x1, s12;
	v2 =	vld [tilespmem:s19+$0xFFFFFFF0]  }
0x3a: {  	s16 =	smul.u32 $0x8100, s30;
	s15 =	sshrl.u32 s29, $0x2;
	v0 =	vld [tilespmem:s19+$0x0]  }
0x3b: {  	s17 =	sor.u32 $0x4000, s15;
	v1 =	vld [tilespmem:s19+$0xFFFFFFE0]  }
0x3c: {  	s31 =	sshrl.u32 s16, $0x2;
	s16 =	sadd.s32 $0x0, s17  }
0x3d: {  	s18 =	simm.s32 $0x4;
	s15 =	sor.u32 $0x4000, s31;
	s19 =	sadd.s32 $0x40, s19;
	[tilespmem:s16+$0x1830 ss:$0x81] =	vst.msk $0xffff, v3  }
.LBB1_3:
0x3e: {  	v3 =	vld [tilespmem:s19+$0x10];
	p1 =	sne.s32 s18, $0x1FC;
	[tilespmem:s16+$0x810 ss:$0x81] =	vst.msk $0xffff, v2;
	s20 =	smov.u32 s18;
	s18 =	sadd.s32 $0x4, s18  }
.Ltmp3:
0x3f: {  	v2 =	vld [tilespmem:s19+$0xFFFFFFF0];
	[tilespmem:s16+$0x1020 ss:$0x81] =	vst.msk $0xffff, v0;
	(pc) =	sbr.rel @p1 .LBB1_3-.Ltmp3, $4  }
0x40: {  	v0 =	vld [tilespmem:s19+$0x0];
	[tilespmem:s16+$0x0 ss:$0x81] =	vst.msk $0xffff, v1  }
0x41: {  	s16 =	sshra.s32 s20, $0x2;
	v1 =	vld [tilespmem:s19+$0xFFFFFFE0]  }
0x42: {  	s16 =	sadd.s32 s16, s17  }
0x43: {  	s19 =	sadd.s32 $0x40, s19;
	[tilespmem:s16+$0x1830 ss:$0x81] =	vst.msk $0xffff, v3  }
0x44: {  	s17 =	sshll.u32 s14, $0x3  }
0x45: {  	s29 =	sand.u32 $0x7F, s14;
	s17 =	sand.u32 $0xFFFFFC00, s17  }
0x46: {  	s14 =	sor.u32 s29, s17;
	s17 =	smulhi.u32 $0xA79C7B17, s17  }
0x47: {  	s18 =	smulhi.u32 $0xA79C7B17, s14;
	_ =	sdelay $0x1  }
0x48: {  	s13 =	smul.u32 $0xC3800, s13;
	s17 =	sshrl.u32 s17, $0x10;
	s18 =	sshrl.u32 s18, $0x10  }
0x49: {  	s17 =	sand.u32 $0x3F, s17;
	s18 =	smul.u32 $0x18700, s18  }
0x4a: {  	s17 =	smul.u32 $0x30E0, s17  }
.Ltmp4:
0x4b: {  	s14 =	ssub.s32 s14, s18;
	(pc) =	sbr.rel .LBB1_5-.Ltmp4, $4  }
0x4c: {  	[tilespmem:s16+$0x810 ss:$0x81] =	vst.msk $0xffff, v2;
	s13 =	sadd.s32 s2, s13;
	s18 =	sand.u32 $0x7, s14  }
0x4d: {  	[tilespmem:s16+$0x1020 ss:$0x81] =	vst.msk $0xffff, v0;
	s13 =	sadd.s32 s17, s13;
	s14 =	sshrl.u32 s14, $0x3;
	s30 =	sshll.u32 s18, $0x12  }
0x4e: {  	[tilespmem:s16+$0x0 ss:$0x81] =	vst.msk $0xffff, v1;
	s13 =	sadd.s32 s14, s13;
	s31 =	sor.u32 $0x400, s30  }
0x4f: {  	[hbm4b:s13+s31] =	stream.strided.scatter [tilespmem:s15], [sflag:$0x2], $0x2000, s9, s31, $0x20;
	[tilespmem:$0x8080] =	vst v63  }
.LBB1_6:
0x50: {  	_ =	sfence.sel $0x180000  }
0x51: {  	s2 =	simm.s32 $0x1;
	[bflag:$0x0] =	sbarrier.arrive $0xFFFF  }
0x52: {  	s31 =	simm.s32 $0x2;
	[sflag:s2] =	ssyncpa.u1 $0x1  }
0x53: {  	[sflag:s31] =	ssyncpa.u1 $0x1  }
0x54: {  	p0 =	sne.s32 s1, $0x0;
	_ =	strace $0x90000047  }
0x55: {  	s0 =	sadd.s32 @!p0 $0x100000, s0;
	[bflag:$0x2] =	sbarrier.arrive $0xFFFF  }
0x56: {  	[sflag:s0] =	ssyncadd.tile.s32 @!p0 $0x1;
	_ =	shalt  }
.Lfunc_end1:
_tile_overlayer_lowered:
.L_overlay_start_2:
0x57: {  	(tag) =	ssettag $0x2  }
0x58: {  	s0 =	rddreg [dreg:$0x0];
	s2 =	stileid.u32  }
0x59: {  	s1 =	rddreg [dreg:$0x1];
	p0 =	sne.s32 s2, $0x0  }
0x5a: {  	s3 =	rddreg [dreg:$0x2];
	[bflag:$0x3] =	sbarrier.arrive $0xFFFF;
	s2 =	simm.s32 @!p0 $0x1C01  }
0x5b: {  	[timem:s3], [sflag:s2] =	dma.local @!p0 [hbm:s0], s1  }
0x5c: {  	s0 =	simm.s32 @!p0 $0x1  }
0x5d: {  	_ =	swait.ge @!p0 [sflag:s0], s1  }
0x5e: {  	s1 =	ssub.s32 @!p0 $0x0, s1;
	[sflag:s0] =	ssyncset.done @!p0 $0x0  }
0x5f: {  	[sflag:s0] =	ssyncadd.s32 @!p0 s1  }
0x60: {  	[bflag:$0x3] =	sbarrier.arrive $0xFFFF  }
0x61: {  	_ =	shalt  }

</sc_bundles>
